<compile_context>
chip_gen: v7x
topology: tpu7x:2x2x1
jax: 0.10.2.dev20260603
libtpu: 0.0.44.dev20260713+nightly
codegen_flags: <defaults>
</compile_context>

<pallas_src>
import functools

import jax
import jax.numpy as jnp
from jax import lax
from jax.experimental import pallas as pl
from jax.experimental.pallas import tpu as pltpu
from jax.experimental.pallas import tpu_sc as plsc

_L = 16
_NC = 2
_NS = 16
_NW = _NC * _NS
_H = 32
_TC_BLK = 2000


def _tc_matvec(d_tab, r_tab, w_d, w_r, bias):
  rows = d_tab.shape[0]
  grid = pl.cdiv(rows, _TC_BLK)

  def body(d_ref, r_ref, wd_ref, wr_ref, b_ref, u_ref, v_ref):
    u_ref[...] = jnp.dot(d_ref[...], wd_ref[...],
                         preferred_element_type=jnp.float32) + b_ref[0, 0]
    v_ref[...] = jnp.dot(r_ref[...], wr_ref[...],
                         preferred_element_type=jnp.float32)

  return pl.pallas_call(
      body,
      grid=(grid,),
      in_specs=[
          pl.BlockSpec((_TC_BLK, _H), lambda i: (i, 0)),
          pl.BlockSpec((_TC_BLK, _H), lambda i: (i, 0)),
          pl.BlockSpec((_H, 1), lambda i: (0, 0)),
          pl.BlockSpec((_H, 1), lambda i: (0, 0)),
          pl.BlockSpec((1, 1), lambda i: (0, 0), memory_space=pltpu.SMEM),
      ],
      out_specs=[
          pl.BlockSpec((_TC_BLK, 1), lambda i: (i, 0)),
          pl.BlockSpec((_TC_BLK, 1), lambda i: (i, 0)),
      ],
      out_shape=[
          jax.ShapeDtypeStruct((rows, 1), jnp.float32),
          jax.ShapeDtypeStruct((rows, 1), jnp.float32),
      ],
  )(d_tab, r_tab, w_d, w_r, bias)


def _build_sc_gather(n_rows: int, b_per_w: int):
  mesh = plsc.VectorSubcoreMesh(core_axis_name="c", subcore_axis_name="s")
  b_pad = b_per_w * _NW

  @functools.partial(
      pl.kernel,
      out_type=jax.ShapeDtypeStruct((b_pad,), jnp.float32),
      mesh=mesh,
      compiler_params=pltpu.CompilerParams(needs_layout_passes=False),
      scratch_types=[
          pltpu.VMEM((n_rows,), jnp.float32),
          pltpu.VMEM((n_rows,), jnp.float32),
          pltpu.VMEM((b_per_w,), jnp.int32),
          pltpu.VMEM((b_per_w,), jnp.int32),
          pltpu.VMEM((b_per_w,), jnp.float32),
          pltpu.SemaphoreType.DMA,
          pltpu.SemaphoreType.DMA,
      ],
  )
  def sc_kernel(u_hbm, v_hbm, d_idx_hbm, r_idx_hbm, out_hbm,
                u_v, v_v, d_idx_v, r_idx_v, out_v, usem, vsem):
    wid = lax.axis_index("s") * _NC + lax.axis_index("c")
    base = wid * b_per_w
    ucp = pltpu.async_copy(u_hbm, u_v, usem)
    vcp = pltpu.async_copy(v_hbm, v_v, vsem)
    pltpu.sync_copy(d_idx_hbm.at[pl.ds(base, b_per_w)], d_idx_v)
    pltpu.sync_copy(r_idx_hbm.at[pl.ds(base, b_per_w)], r_idx_v)
    ucp.wait()
    vcp.wait()

    def body(g, carry):
      sl = pl.ds(g * _L, _L)
      out_v[sl] = (plsc.load_gather(u_v, [d_idx_v[sl]])
                   + plsc.load_gather(v_v, [r_idx_v[sl]]))
      return carry

    lax.fori_loop(0, b_per_w // _L, body, 0)
    pltpu.sync_copy(out_v, out_hbm.at[pl.ds(base, b_per_w)])

  return sc_kernel


def kernel(diner_idx, reviewer_idx, edge_index, diner_table, reviewer_table,
           W1, b1, W2, b2, fc_W, fc_b):
  del edge_index, W1, b1, W2, b2
  b = diner_idx.shape[0]
  n_rows = diner_table.shape[0]
  fc_W = fc_W.astype(jnp.float32)
  u2d, v2d = _tc_matvec(diner_table.astype(jnp.float32),
                        reviewer_table.astype(jnp.float32),
                        fc_W[:_H], fc_W[_H:],
                        fc_b.astype(jnp.float32).reshape(1, 1))
  u = u2d.reshape(n_rows)
  v = v2d.reshape(n_rows)

  grp = _NW * _L
  b_per_w = (-(-b // grp)) * _L
  pad = b_per_w * _NW - b
  d_idx = jnp.pad(diner_idx.astype(jnp.int32), (0, pad))
  r_idx = jnp.pad(reviewer_idx.astype(jnp.int32), (0, pad))
  out = _build_sc_gather(n_rows, b_per_w)(u, v, d_idx, r_idx)
  return out[:b]

# --- scband reference (transcript-rebuilt; emitter-appended) ---
"""Pipeline reference for scband-review-gnn-60438779789899 (READ-ONLY COPY).

The authoritative reference and input builder live on the scoring server;
editing this copy changes nothing except your own understanding.
"""

import jax, jax.numpy as jnp
import numpy as np

NUM_DINERS = 50000
NUM_REVIEWERS = 50000
HIDDEN = 32
NUM_EDGES = 1600000
NUM_NODES = NUM_DINERS + NUM_REVIEWERS


def setup_inputs(seed: int = 0) -> dict:
    key = jax.random.key(seed)
    ks = jax.random.split(key, 12)
    diner_idx = jax.random.randint(ks[0], (NUM_DINERS,), 0, NUM_DINERS)
    reviewer_idx = jax.random.randint(ks[1], (NUM_REVIEWERS,), 0, NUM_REVIEWERS)
    edge_index = jax.random.randint(ks[2], (2, NUM_EDGES), 0, NUM_NODES)
    diner_table = jax.random.normal(ks[3], (NUM_DINERS, HIDDEN), dtype=jnp.float32)
    reviewer_table = jax.random.normal(ks[4], (NUM_REVIEWERS, HIDDEN), dtype=jnp.float32)
    W1 = jax.random.normal(ks[5], (HIDDEN, HIDDEN), dtype=jnp.float32) * (1.0 / np.sqrt(HIDDEN))
    b1 = jnp.zeros((HIDDEN,), dtype=jnp.float32)
    W2 = jax.random.normal(ks[6], (HIDDEN, HIDDEN), dtype=jnp.float32) * (1.0 / np.sqrt(HIDDEN))
    b2 = jnp.zeros((HIDDEN,), dtype=jnp.float32)
    fc_W = jax.random.normal(ks[7], (2 * HIDDEN, 1), dtype=jnp.float32) * (1.0 / np.sqrt(2 * HIDDEN))
    fc_b = jnp.zeros((1,), dtype=jnp.float32)
    return {"diner_idx": diner_idx, "reviewer_idx": reviewer_idx, "edge_index": edge_index,
            "diner_table": diner_table, "reviewer_table": reviewer_table,
            "W1": W1, "b1": b1, "W2": W2, "b2": b2, "fc_W": fc_W, "fc_b": fc_b}


def gcn_conv(x, edge_index, W, b, num_nodes):
    # PyG GCNConv: x @ W, add self-loops, symmetric normalization, scatter-add, + bias
    xw = x @ W
    loop = jnp.arange(num_nodes, dtype=edge_index.dtype)
    src = jnp.concatenate([edge_index[0], loop])
    dst = jnp.concatenate([edge_index[1], loop])
    deg = jnp.zeros((num_nodes,), dtype=xw.dtype).at[dst].add(1.0)
    deg_inv_sqrt = jnp.where(deg > 0, 1.0 / jnp.sqrt(deg), 0.0)
    norm = deg_inv_sqrt[src] * deg_inv_sqrt[dst]
    msgs = xw[src] * norm[:, None]
    out = jnp.zeros_like(xw).at[dst].add(msgs)
    return out + b


def reference(diner_idx, reviewer_idx, edge_index, diner_table, reviewer_table, W1, b1, W2, b2, fc_W, fc_b):
    diner_emb = diner_table[diner_idx]
    reviewer_emb = reviewer_table[reviewer_idx]
    x = jnp.concatenate([diner_emb, reviewer_emb], axis=0)
    num_nodes = x.shape[0]
    x = jax.nn.relu(gcn_conv(x, edge_index, W1, b1, num_nodes))
    x = jax.nn.relu(gcn_conv(x, edge_index, W2, b2, num_nodes))
    diner_reviewer_emb = jnp.concatenate([diner_emb, reviewer_emb], axis=1)
    out = (diner_reviewer_emb @ fc_W + fc_b).squeeze()
    return out

if __name__ == "__main__":
    import jax
    _d = setup_inputs()
    print(jax.jit(kernel)(*tuple(_d.values())))

</pallas_src>

<mosaic_0001>
#map = affine_map<(d0, d1) -> (0)>
module attributes {stable_mosaic.version = 14 : i64} {
  func.func @sc_kernel(%arg0: i32, %arg1: i32, %arg2: memref<50000xf32, #tpu.memory_space<hbm>>, %arg3: memref<50000xf32, #tpu.memory_space<hbm>>, %arg4: memref<50176xi32, #tpu.memory_space<hbm>>, %arg5: memref<50176xi32, #tpu.memory_space<hbm>>, %arg6: memref<50176xf32, #tpu.memory_space<hbm>>, %arg7: memref<50000xf32, #tpu.memory_space<vmem>>, %arg8: memref<50000xf32, #tpu.memory_space<vmem>>, %arg9: memref<1568xi32, #tpu.memory_space<vmem>>, %arg10: memref<1568xi32, #tpu.memory_space<vmem>>, %arg11: memref<1568xf32, #tpu.memory_space<vmem>>, %arg12: memref<!tpu.dma_semaphore, #tpu.memory_space<semaphore_mem>>, %arg13: memref<!tpu.dma_semaphore, #tpu.memory_space<semaphore_mem>>) attributes {dimension_semantics = [#tpu.dimension_semantics<core_parallel>, #tpu.dimension_semantics<subcore_parallel>], iteration_bounds = array<i64: 2, 16>, scalar_prefetch = 0 : i64, scratch_operands = 7 : i64, tpu.core_type = #tpu.core_type<sc_vector_subcore>, window_params = [{transform_indices = #map}, {transform_indices = #map}, {transform_indices = #map}, {transform_indices = #map}, {transform_indices = #map}]} {
    %mul3A = arith.constant 2 : i32
    %mul3A_0 = arith.muli %arg1, %mul3A : i32
    %add3A = arith.addi %mul3A_0, %arg0 : i32
    %mul3A_1 = arith.constant 1568 : i32
    %mul3A_2 = arith.muli %add3A, %mul3A_1 : i32
    tpu.enqueue_dma source(%arg2 : memref<50000xf32, #tpu.memory_space<hbm>>) target(%arg7 : memref<50000xf32, #tpu.memory_space<vmem>>) target_semaphore(%arg12 : memref<!tpu.dma_semaphore, #tpu.memory_space<semaphore_mem>>)
    tpu.enqueue_dma source(%arg3 : memref<50000xf32, #tpu.memory_space<hbm>>) target(%arg8 : memref<50000xf32, #tpu.memory_space<vmem>>) target_semaphore(%arg13 : memref<!tpu.dma_semaphore, #tpu.memory_space<semaphore_mem>>)
    "tpu.region"() ({
      %run_scoped3A = tpu.sem_alloc : memref<!tpu.dma_semaphore, #tpu.memory_space<semaphore_mem>>
      %dma_start3A = tpu.memref_slice %arg4[%mul3A_2] : memref<50176xi32, #tpu.memory_space<hbm>> -> memref<1568xi32, #tpu.memory_space<hbm>>
      %dma_start3A_8 = tpu.memref_slice %arg4[%mul3A_2] : memref<50176xi32, #tpu.memory_space<hbm>> -> memref<1568xi32, #tpu.memory_space<hbm>>
      tpu.enqueue_dma source(%dma_start3A_8 : memref<1568xi32, #tpu.memory_space<hbm>>) target(%arg9 : memref<1568xi32, #tpu.memory_space<vmem>>) target_semaphore(%run_scoped3A : memref<!tpu.dma_semaphore, #tpu.memory_space<semaphore_mem>>)
      %dma_wait3A = tpu.memref_slice %arg4[%mul3A_2] : memref<50176xi32, #tpu.memory_space<hbm>> -> memref<1568xi32, #tpu.memory_space<hbm>>
      %dma_wait3A_9 = tpu.memref_slice %arg4[%mul3A_2] : memref<50176xi32, #tpu.memory_space<hbm>> -> memref<1568xi32, #tpu.memory_space<hbm>>
      tpu.wait_dma2 semaphore(%run_scoped3A : memref<!tpu.dma_semaphore, #tpu.memory_space<semaphore_mem>>) src(%dma_wait3A_9 : memref<1568xi32, #tpu.memory_space<hbm>>) dst(%arg9 : memref<1568xi32, #tpu.memory_space<vmem>>)
      tpu.yield
    }) : () -> ()
    "tpu.region"() ({
      %run_scoped3A = tpu.sem_alloc : memref<!tpu.dma_semaphore, #tpu.memory_space<semaphore_mem>>
      %dma_start3A = tpu.memref_slice %arg5[%mul3A_2] : memref<50176xi32, #tpu.memory_space<hbm>> -> memref<1568xi32, #tpu.memory_space<hbm>>
      %dma_start3A_8 = tpu.memref_slice %arg5[%mul3A_2] : memref<50176xi32, #tpu.memory_space<hbm>> -> memref<1568xi32, #tpu.memory_space<hbm>>
      tpu.enqueue_dma source(%dma_start3A_8 : memref<1568xi32, #tpu.memory_space<hbm>>) target(%arg10 : memref<1568xi32, #tpu.memory_space<vmem>>) target_semaphore(%run_scoped3A : memref<!tpu.dma_semaphore, #tpu.memory_space<semaphore_mem>>)
      %dma_wait3A = tpu.memref_slice %arg5[%mul3A_2] : memref<50176xi32, #tpu.memory_space<hbm>> -> memref<1568xi32, #tpu.memory_space<hbm>>
      %dma_wait3A_9 = tpu.memref_slice %arg5[%mul3A_2] : memref<50176xi32, #tpu.memory_space<hbm>> -> memref<1568xi32, #tpu.memory_space<hbm>>
      tpu.wait_dma2 semaphore(%run_scoped3A : memref<!tpu.dma_semaphore, #tpu.memory_space<semaphore_mem>>) src(%dma_wait3A_9 : memref<1568xi32, #tpu.memory_space<hbm>>) dst(%arg10 : memref<1568xi32, #tpu.memory_space<vmem>>)
      tpu.yield
    }) : () -> ()
    tpu.wait_dma2 semaphore(%arg12 : memref<!tpu.dma_semaphore, #tpu.memory_space<semaphore_mem>>) src(%arg2 : memref<50000xf32, #tpu.memory_space<hbm>>) dst(%arg7 : memref<50000xf32, #tpu.memory_space<vmem>>)
    tpu.wait_dma2 semaphore(%arg13 : memref<!tpu.dma_semaphore, #tpu.memory_space<semaphore_mem>>) src(%arg3 : memref<50000xf32, #tpu.memory_space<hbm>>) dst(%arg8 : memref<50000xf32, #tpu.memory_space<vmem>>)
    %scan3A = arith.constant 0 : i32
    %scan3A_3 = arith.constant 0 : i32
    %scan3A_4 = arith.constant 98 : i32
    %scan3A_5 = arith.addi %scan3A_3, %scan3A_4 : i32
    %scan3A_6 = arith.constant 1 : i32
    scf.for %scan3A_8 = %scan3A_3 to %scan3A_5 step %scan3A_6  : i32 {
      %mul3A_9 = arith.constant 16 : i32
      %mul3A_10 = arith.muli %scan3A_8, %mul3A_9 : i32
      %get3A = arith.index_cast %mul3A_10 : i32 to index
      %get3A_11 = tpu.vector_load %arg9[%get3A] {strides = array<i32>} : memref<1568xi32, #tpu.memory_space<vmem>>, vector<16xi32>,
      %gather3A = tpu.vector_load_idx %arg7[%get3A_11] : memref<50000xf32, #tpu.memory_space<vmem>>[vector<16xi32>], vector<16xf32>,
      %get3A_12 = arith.index_cast %mul3A_10 : i32 to index
      %get3A_13 = tpu.vector_load %arg10[%get3A_12] {strides = array<i32>} : memref<1568xi32, #tpu.memory_space<vmem>>, vector<16xi32>,
      %gather3A_14 = tpu.vector_load_idx %arg8[%get3A_13] : memref<50000xf32, #tpu.memory_space<vmem>>[vector<16xi32>], vector<16xf32>,
      %add3A_15 = arith.addf %gather3A, %gather3A_14 : vector<16xf32>
      %swap3A = arith.index_cast %mul3A_10 : i32 to index
      %swap3A_16 = tpu.vector_load %arg11[%swap3A] {strides = array<i32>} : memref<1568xf32, #tpu.memory_space<vmem>>, vector<16xf32>,
      tpu.vector_store %arg11[%swap3A], %add3A_15 {strides = array<i32>} : memref<1568xf32, #tpu.memory_space<vmem>>, vector<16xf32>,
    }
    %scan3A_7 = arith.constant 98 : i32
    "tpu.region"() ({
      %run_scoped3A = tpu.sem_alloc : memref<!tpu.dma_semaphore, #tpu.memory_space<semaphore_mem>>
      %dma_start3A = tpu.memref_slice %arg6[%mul3A_2] : memref<50176xf32, #tpu.memory_space<hbm>> -> memref<1568xf32, #tpu.memory_space<hbm>>
      %dma_start3A_8 = tpu.memref_slice %arg6[%mul3A_2] : memref<50176xf32, #tpu.memory_space<hbm>> -> memref<1568xf32, #tpu.memory_space<hbm>>
      tpu.enqueue_dma source(%arg11 : memref<1568xf32, #tpu.memory_space<vmem>>) target(%dma_start3A_8 : memref<1568xf32, #tpu.memory_space<hbm>>) target_semaphore(%run_scoped3A : memref<!tpu.dma_semaphore, #tpu.memory_space<semaphore_mem>>)
      %dma_wait3A = tpu.memref_slice %arg6[%mul3A_2] : memref<50176xf32, #tpu.memory_space<hbm>> -> memref<1568xf32, #tpu.memory_space<hbm>>
      %dma_wait3A_9 = tpu.memref_slice %arg6[%mul3A_2] : memref<50176xf32, #tpu.memory_space<hbm>> -> memref<1568xf32, #tpu.memory_space<hbm>>
      tpu.wait_dma2 semaphore(%run_scoped3A : memref<!tpu.dma_semaphore, #tpu.memory_space<semaphore_mem>>) src(%arg11 : memref<1568xf32, #tpu.memory_space<vmem>>) dst(%dma_wait3A_9 : memref<1568xf32, #tpu.memory_space<hbm>>)
      tpu.yield
    }) : () -> ()
    return
  }
}

module attributes {stable_mosaic.version = 14 : i64} {
  func.func @body(%arg0: i32, %arg1: memref<2000x32xf32, #tpu.memory_space<vmem>>, %arg2: memref<2000x32xf32, #tpu.memory_space<vmem>>, %arg3: memref<32x1xf32, #tpu.memory_space<vmem>>, %arg4: memref<32x1xf32, #tpu.memory_space<vmem>>, %arg5: memref<1x1xf32, #tpu.memory_space<smem>>, %arg6: memref<2000x1xf32, #tpu.memory_space<vmem>>, %arg7: memref<2000x1xf32, #tpu.memory_space<vmem>>) attributes {dimension_semantics = [#tpu.dimension_semantics<arbitrary>], iteration_bounds = array<i64: 25>, scalar_prefetch = 0 : i64, scratch_operands = 0 : i64, tpu.core_type = #tpu.core_type<tc>, window_params = [{transform_indices = @transform_0, window_bounds = array<i64: 2000, 32>}, {transform_indices = @transform_1, window_bounds = array<i64: 2000, 32>}, {pipeline_mode = #tpu.pipeline_mode<synchronous>, transform_indices = @transform_2, window_bounds = array<i64: 32, 1>}, {pipeline_mode = #tpu.pipeline_mode<synchronous>, transform_indices = @transform_3, window_bounds = array<i64: 32, 1>}, {transform_indices = @transform_4, window_bounds = array<i64: 1, 1>}, {transform_indices = @transform_5, window_bounds = array<i64: 2000, 1>}, {transform_indices = @transform_6, window_bounds = array<i64: 2000, 1>}]} {
    %get3A = arith.constant 0 : index
    %get3A_0 = arith.constant 0 : index
    %get3A_1 = vector.load %arg1[%get3A, %get3A_0] : memref<2000x32xf32, #tpu.memory_space<vmem>>, vector<2000x32xf32>
    %get3A_2 = arith.constant 0 : index
    %get3A_3 = arith.constant 0 : index
    %get3A_4 = vector.load %arg3[%get3A_2, %get3A_3] : memref<32x1xf32, #tpu.memory_space<vmem>>, vector<32x1xf32>
    %dot_general3A = arith.constant dense<0.000000e+00> : vector<2000x1xf32>
    %dot_general3A_5 = tpu.matmul %get3A_1, %get3A_4, %dot_general3A {dimension_numbers = #tpu.dot_dimension_numbers<[1], [0], [0], [1], [0, 0, 1, 1], [], []>, transpose_lhs_hint = false} : vector<2000x32xf32>, vector<32x1xf32>, vector<2000x1xf32> -> vector<2000x1xf32>
    %get3A_6 = arith.constant 0 : index
    %get3A_7 = arith.constant 0 : index
    %get3A_8 = memref.load %arg5[%get3A_6, %get3A_7] : memref<1x1xf32, #tpu.memory_space<smem>>
    %add3A = vector.broadcast %get3A_8 : f32 to vector<2000x1xf32>
    %add3A_9 = arith.addf %dot_general3A_5, %add3A : vector<2000x1xf32>
    %swap3A = arith.constant 0 : index
    %swap3A_10 = arith.constant 0 : index
    %swap3A_11 = vector.load %arg6[%swap3A, %swap3A_10] : memref<2000x1xf32, #tpu.memory_space<vmem>>, vector<2000x1xf32>
    tpu.vector_store %arg6[%swap3A, %swap3A_10], %add3A_9 {strides = array<i32>} : memref<2000x1xf32, #tpu.memory_space<vmem>>, vector<2000x1xf32>,
    %get3A_12 = arith.constant 0 : index
    %get3A_13 = arith.constant 0 : index
    %get3A_14 = vector.load %arg2[%get3A_12, %get3A_13] : memref<2000x32xf32, #tpu.memory_space<vmem>>, vector<2000x32xf32>
    %get3A_15 = arith.constant 0 : index
    %get3A_16 = arith.constant 0 : index
    %get3A_17 = vector.load %arg4[%get3A_15, %get3A_16] : memref<32x1xf32, #tpu.memory_space<vmem>>, vector<32x1xf32>
    %dot_general3A_18 = arith.constant dense<0.000000e+00> : vector<2000x1xf32>
    %dot_general3A_19 = tpu.matmul %get3A_14, %get3A_17, %dot_general3A_18 {dimension_numbers = #tpu.dot_dimension_numbers<[1], [0], [0], [1], [0, 0, 1, 1], [], []>, transpose_lhs_hint = false} : vector<2000x32xf32>, vector<32x1xf32>, vector<2000x1xf32> -> vector<2000x1xf32>
    %swap3A_20 = arith.constant 0 : index
    %swap3A_21 = arith.constant 0 : index
    %swap3A_22 = vector.load %arg7[%swap3A_20, %swap3A_21] : memref<2000x1xf32, #tpu.memory_space<vmem>>, vector<2000x1xf32>
    tpu.vector_store %arg7[%swap3A_20, %swap3A_21], %dot_general3A_19 {strides = array<i32>} : memref<2000x1xf32, #tpu.memory_space<vmem>>, vector<2000x1xf32>,
    return
  }
  func.func @transform_0(%arg0: i32) -> (i32, i32) {
    %c0_i32 = arith.constant 0 : i32
    %c0_i32_0 = arith.constant 0 : i32
    return %arg0, %c0_i32 : i32, i32
  }
  func.func @transform_1(%arg0: i32) -> (i32, i32) {
    %c0_i32 = arith.constant 0 : i32
    %c0_i32_0 = arith.constant 0 : i32
    return %arg0, %c0_i32 : i32, i32
  }
  func.func @transform_2(%arg0: i32) -> (i32, i32) {
    %c0_i32 = arith.constant 0 : i32
    %c0_i32_0 = arith.constant 0 : i32
    %c0_i32_1 = arith.constant 0 : i32
    return %c0_i32, %c0_i32_0 : i32, i32
  }
  func.func @transform_3(%arg0: i32) -> (i32, i32) {
    %c0_i32 = arith.constant 0 : i32
    %c0_i32_0 = arith.constant 0 : i32
    %c0_i32_1 = arith.constant 0 : i32
    return %c0_i32, %c0_i32_0 : i32, i32
  }
  func.func @transform_4(%arg0: i32) -> (i32, i32) {
    %c0_i32 = arith.constant 0 : i32
    %c0_i32_0 = arith.constant 0 : i32
    %c0_i32_1 = arith.constant 0 : i32
    return %c0_i32, %c0_i32_0 : i32, i32
  }
  func.func @transform_5(%arg0: i32) -> (i32, i32) {
    %c0_i32 = arith.constant 0 : i32
    %c0_i32_0 = arith.constant 0 : i32
    return %arg0, %c0_i32 : i32, i32
  }
  func.func @transform_6(%arg0: i32) -> (i32, i32) {
    %c0_i32 = arith.constant 0 : i32
    %c0_i32_0 = arith.constant 0 : i32
    return %arg0, %c0_i32 : i32, i32
  }
}

</mosaic_0001>

<sc_bundles>
// kernel: kernel.4.cloned.1.call-start
scs
__scs_entry_jumppad:
0x0: {  	(pc) =	sbr.rel $0x88, $3  }
0x1: {  	(tag) =	ssettag $0x0;
	lr =	simm.s32 $0x1  }
0x2: {  	[smem:$0x3F9B] =	sst lr;
	_ =	strace $0xD0000000  }
0x3: {  	_ = 	snop  }
0x4: {  	_ = 	snop  }
0x5: {  	_ = 	snop  }
0x6: {  	_ = 	snop  }
0x7: {  	_ = 	snop  }
__scs_overlays_trampoline_lowered:
0x8: {  	[smem:$0x3FAA] =	sst s0  }
0x9: {  	[smem:$0x3FAB] =	sst s1  }
0xa: {  	[smem:$0x3FAC] =	sst s2  }
0xb: {  	[smem:$0x3FAD] =	sst s3  }
0xc: {  	[smem:$0x3FAE] =	sst s4  }
0xd: {  	[smem:$0x3FAF] =	sst s5  }
0xe: {  	[smem:$0x3FB0] =	sst s6  }
0xf: {  	[smem:$0x3FB1] =	sst s7  }
0x10: {  	[smem:$0x3FB2] =	sst s8  }
0x11: {  	[smem:$0x3FB3] =	sst s9;
	s0 =	simm.s32 @!p0 $0x0  }
0x12: {  	s1 =	sld [smem:$0x3F99];
	s0 =	simm.s32 @p0 $0x1  }
0x13: {  	[smem:$0x3FB4] =	sst s0;
	s0 =	simm.s32 @!p1 $0x0  }
0x14: {  	s2 =	sld [smem:$0x3F98];
	s0 =	simm.s32 @p1 $0x1  }
0x15: {  	[smem:$0x3FB5] =	sst s0;
	s0 =	simm.s32 @!p2 $0x0  }
0x16: {  	s3 =	sld [smem:$0x3FDB];
	s0 =	simm.s32 @p2 $0x1  }
0x17: {  	s4 =	simm.s32 $0x1BF5;
	[smem:$0x3FB7] =	sst s0  }
0x18: {  	s0 =	sld [smem:$0x3F9A];
	_ =	swait.ge [sflag:s4], $0x0  }
0x19: {  	s7 =	sld [smem:$0x3F9B]  }
0x1a: {  	s8 =	sadd.s32 $0xFFFFE003, lr  }
0x1b: {  	s9 =	sadd.s32 $0xFFFFFEF7, lr;
	s5 =	simm.s32 $0xFFFFFFFF;
	p2 =	slt.u32 s8, $0xFFFFF086  }
0x1c: {  	p1 =	slt.u32 s9, $0xF7A;
	s5 =	simm.s32 @!p2 $0x0  }
0x1d: {  	s5 =	simm.s32 @p1 $0x1;
	p0 =	seq.s32 s7, s2  }
0x1e: {  	s7 =	smul.u32 @!p0 $0xF7A, s2;
	p2 =	seq.s32 @!p0 s5, $0x0  }
0x1f: {  	s9 =	smul.u32 $0xF7A, s1;
	s8 =	simm.s32 @!p0 $0x1BF5;
	p2 =	por !p2, p0  }
0x20: {  	[sflag:s8] =	ssyncset.s32 @!p0 $0xFFFFF086;
	s6 =	sadd.s32 @!p0 s3, s7;
	s7 =	simm.s32 @!p0 $0x108  }
0x21: {  	s3 =	sadd.s32 s3, s9;
	s6 =	sadd.s32 @!p0 $0x88, s6;
	s7 =	simm.s32 @p2 $0x1082  }
0x22: {  	[simem:s7], [sflag:s8] =	dma.local @!p0 [hbm:s6], $0xF7A  }
0x23: {  	s9 =	sor.u32 $0xD0000000, s2;
	s6 =	simm.s32 $0x108;
	_ =	swait.ge @!p0 [sflag:s8], $0x0  }
0x24: {  	s3 =	sadd.s32 $0x88, s3;
	s6 =	simm.s32 @!p1 $0x1082;
	[sflag:s4] =	ssyncset.s32 $0xFFFFF086  }
0x25: {  	[simem:s6], [sflag:s4] =	dma.local [hbm:s3], $0xF7A  }
0x26: {  	[smem:$0x3F9B] =	sst s1;
	(tag) =	ssettag s2;
	_ =	strace s9  }
0x27: {  	s1 =	sld [smem:$0x3FAB]  }
0x28: {  	s2 =	sld [smem:$0x3FAC]  }
0x29: {  	s4 =	sld [smem:$0x3FAE]  }
0x2a: {  	p0 =	seq.s32 s5, $0x0;
	s5 =	sld [smem:$0x3FAF]  }
0x2b: {  	s6 =	sld [smem:$0x3FB0]  }
0x2c: {  	s7 =	sld [smem:$0x3FB1]  }
0x2d: {  	s3 =	simm.s32 $0x108;
	s8 =	sld [smem:$0x3FB2]  }
0x2e: {  	s3 =	simm.s32 @!p0 $0x1082;
	s9 =	sld [smem:$0x3FB3]  }
0x2f: {  	lr =	sadd.s32 s0, s3;
	s0 =	sld [smem:$0x3FAA]  }
0x30: {  	s3 =	sld [smem:$0x3FAD]  }
0x31: {  	[smem:$0x3FB6] =	sst s10  }
0x32: {  	s10 =	sld [smem:$0x3FB4];
	_ =	sdelay $0x3  }
0x33: {  	p0 =	seq.s32 s10, $0x1;
	s10 =	sld [smem:$0x3FB6];
	_ =	sdelay $0x3  }
0x34: {  	[smem:$0x3FB6] =	sst s10  }
0x35: {  	s10 =	sld [smem:$0x3FB5];
	_ =	sdelay $0x3  }
0x36: {  	p1 =	seq.s32 s10, $0x1;
	s10 =	sld [smem:$0x3FB6];
	_ =	sdelay $0x3  }
0x37: {  	[smem:$0x3FB6] =	sst s10  }
0x38: {  	s10 =	sld [smem:$0x3FB7]  }
0x39: {  	_ = 	snop;
	(pc) =	sbr.ind lr, $3  }
0x3a: {  	_ = 	snop  }
0x3b: {  	_ = 	snop  }
0x3c: {  	p2 =	seq.s32 s10, $0x1;
	s10 =	sld [smem:$0x3FB6]  }
0x3d: {  	_ =	shalt  }
0x3e: {  	_ =	shalt  }
0x3f: {  	_ =	shalt  }
0x40: {  	_ =	shalt  }
0x41: {  	_ =	shalt  }
0x42: {  	_ =	shalt  }
0x43: {  	_ =	shalt  }
0x44: {  	_ =	shalt  }
0x45: {  	_ =	shalt  }
0x46: {  	_ =	shalt  }
0x47: {  	_ =	shalt  }
0x48: {  	_ =	shalt  }
0x49: {  	_ =	shalt  }
0x4a: {  	_ =	shalt  }
0x4b: {  	_ =	shalt  }
0x4c: {  	_ =	shalt  }
0x4d: {  	_ =	shalt  }
0x4e: {  	_ =	shalt  }
0x4f: {  	_ =	shalt  }
0x50: {  	_ =	shalt  }
0x51: {  	_ =	shalt  }
0x52: {  	_ =	shalt  }
0x53: {  	_ =	shalt  }
0x54: {  	_ =	shalt  }
0x55: {  	_ =	shalt  }
0x56: {  	_ =	shalt  }
0x57: {  	_ =	shalt  }
0x58: {  	_ =	shalt  }
0x59: {  	_ =	shalt  }
0x5a: {  	_ =	shalt  }
0x5b: {  	_ =	shalt  }
0x5c: {  	_ =	shalt  }
0x5d: {  	_ =	shalt  }
0x5e: {  	_ =	shalt  }
0x5f: {  	_ =	shalt  }
0x60: {  	_ =	shalt  }
0x61: {  	_ =	shalt  }
0x62: {  	_ =	shalt  }
0x63: {  	_ =	shalt  }
0x64: {  	_ =	shalt  }
0x65: {  	_ =	shalt  }
0x66: {  	_ =	shalt  }
0x67: {  	_ =	shalt  }
0x68: {  	_ =	shalt  }
0x69: {  	_ =	shalt  }
0x6a: {  	_ =	shalt  }
0x6b: {  	_ =	shalt  }
0x6c: {  	_ =	shalt  }
0x6d: {  	_ =	shalt  }
0x6e: {  	_ =	shalt  }
0x6f: {  	_ =	shalt  }
0x70: {  	_ =	shalt  }
0x71: {  	_ =	shalt  }
0x72: {  	_ =	shalt  }
0x73: {  	_ =	shalt  }
0x74: {  	_ =	shalt  }
0x75: {  	_ =	shalt  }
0x76: {  	_ =	shalt  }
0x77: {  	_ =	shalt  }
0x78: {  	_ =	shalt  }
0x79: {  	_ =	shalt  }
0x7a: {  	_ =	shalt  }
0x7b: {  	_ =	shalt  }
0x7c: {  	_ =	shalt  }
0x7d: {  	_ =	shalt  }
0x7e: {  	_ =	shalt  }
0x7f: {  	_ =	shalt  }
0x80: {  	_ =	shalt  }
0x81: {  	_ =	shalt  }
0x82: {  	_ =	shalt  }
0x83: {  	_ =	shalt  }
0x84: {  	_ =	shalt  }
0x85: {  	_ =	shalt  }
0x86: {  	_ =	shalt  }
0x87: {  	_ =	shalt  }
.Lfunc_end0:
.L_simem_size_0:
called_computation_lowered:
.L_overlay_start_0:
0x88: {  	s2 =	sld [smem:$0x3FD9]  }
0x89: {  	s3 =	sld [smem:$0x3FFE];
	_ =	sdelay $0x1  }
0x8a: {  	s1 =	srdreg.scid  }
0x8b: {  	s0 =	sand.u32 $0x1, s1  }
0x8c: {  	s17 =	sshll.u32 s0, $0xA;
	s2 =	sadd.s32 s3, s2  }
0x8d: {  	s2 =	sadd.s32 s2, s17  }
0x8e: {  	[smem:$0x3FC2] =	sst s2  }
0x8f: {  	_ = 	snop  }
0x90: {  	s2 =	sld [smem:$0x3FD0];
	(tm) =	ssettm $0x1  }
0x91: {  	s18 =	sld [smem:$0x3FFB];
	_ =	sdelay $0x3  }
0x92: {  	_ =	strace s18  }
0x93: {  	s3 =	sld [smem:$0x3FFC];
	_ =	sdelay $0x3  }
0x94: {  	_ =	strace s3  }
0x95: {  	s3 =	sld [smem:$0x3FFD];
	_ =	sdelay $0x3  }
0x96: {  	_ =	strace s3  }
0x97: {  	_ =	strace $0x8FFFFFFF  }
0x98: {  	s19 =	sld [smem:$0x3FDB];
	_ =	sdelay $0x1  }
0x99: {  	s4 =	simm.s32 $_scs_section_size  }
0x9a: {  	s5 =	simm.s32 $_size__tile_overlayer_lowered;
	s6 =	simm.s32 $_tile_overlayer_lowered  }
0x9b: {  	s22 =	simm.s32 $0x1BFF;
	s21 =	sshll.u32 s6, $0x1;
	s3 =	sadd.s32 s4, s19  }
0x9c: {  	s7 =	simm.s32 $0x0;
	s20 =	sshll.u32 s5, $0x1;
	s5 =	sadd.s32 s21, s3  }
0x9d: {  	[timem:s7], [sflag:s22] =	dma.local [hbm:s5], s20  }
0x9e: {  	_ =	swait.ge [sflag:s22], s20  }
0x9f: {  	s4 =	ssub.s32 $0x0, s20;
	[sflag:s22] =	ssyncset.done $0x0  }
0xa0: {  	[sflag:s22] =	ssyncadd.s32 s4;
	_ =	sdelay $0x1  }
0xa1: {  	s23 =	simm.s32 $0x1B8B  }
0xa2: {  	_ =	swait.ge [sflag:s23], $0x1  }
0xa3: {  	[sflag:s23] =	ssyncset.done $0x0  }
0xa4: {  	s25 =	simm.s32 $0x1B8E;
	s24 =	sld [smem:$0x3FFE];
	[sflag:s23] =	ssyncadd.s32 $0xFFFFFFFF  }
0xa5: {  	s26 =	simm.s32 $execute0_lowered;
	[smem:$0x3FD2] =	sst s25  }
0xa6: {  	s5 =	sshll.u32 s26, $0x1;
	_ =	strace $0x80000046;
	[dreg:$0x1] =	wrdreg $0xFFFFFFFF  }
0xa7: {  	s28 =	simm.s32 $_size_execute0_lowered;
	s3 =	sadd.s32 s3, s5;
	[dreg:$0x0] =	wrdreg $0x0  }
0xa8: {  	s5 =	sshll.u32 s28, $0x1;
	[dreg:$0x2] =	wrdreg s3  }
0xa9: {  	[dreg:$0x3] =	wrdreg s5  }
0xaa: {  	[dreg:$0x4] =	wrdreg $0xC0  }
0xab: {  	_ =	task [dreg:s7], $0x5FFFF  }
0xac: {  	[dreg:$0x1] =	wrdreg $0xFFFFFFFF  }
0xad: {  	[dreg:$0x0] =	wrdreg $0x60  }
0xae: {  	[dreg:$0x2] =	wrdreg s24  }
0xaf: {  	[dreg:$0x3] =	wrdreg s2  }
0xb0: {  	[dreg:$0x4] =	wrdreg $0x9  }
0xb1: {  	_ =	task.clear_ibuf [dreg:s7], $0x5FFFF;
	_ =	strace $0x90000046  }
0xb2: {  	s29 =	simm.s32 $0x9;
	_ =	strace $0x80000048  }
0xb3: {  	_ =	swait.ge [sflag:s29], $0x1  }
0xb4: {  	[sflag:s29] =	ssyncadd.s32 $0xFFFFFFFF  }
0xb5: {  	_ =	strace $0x90000048  }
0xb6: {  	_ =	sfence  }
0xb7: {  	s30 =	sld [smem:$0x0];
	_ =	sdelay $0x2  }
0xb8: {  	s31 =	sshll.u32 s1, $0xD;
	s1 =	sshrl.u32 s1, $0x2  }
0xb9: {  	s3 =	sand.u32 $0x4000, s31;
	s1 =	sadd.s32 s1, s30  }
0xba: {  	s0 =	sor.u32 s3, s0;
	s1 =	sshll.u32 s1, $0x11  }
0xbb: {  	s0 =	sor.u32 s1, s0  }
0xbc: {  	s0 =	sadd.s32 $0x8F2B, s0  }
0xbd: {  	[sflag:s0] =	ssyncadd.remote.s32 $0x1  }
0xbe: {  	_ =	sfence.sel $0xFFFF  }
0xbf: {  	[dreg:$0x0] =	wrdreg $0xFFFFFFFF;
	(pc) =	sbr.abs _section_cstart, $3  }
0xc0: {  	[dreg:$0x1] =	wrdreg $0xFFFFFFFF  }
0xc1: {  	_ =	task.clear_ibuf [dreg:s7], $0x2FFFF;
	_ =	strace $0x9FFFFFFF  }
0xc2: {  	(tm) =	ssettm $0x7FFFFFFF  }
0xc3: {  	_ =	shalt  }
tec
execute0_lowered:
.L_overlay_start_1:
0x0: {  	(tag) =	ssettag $0x1  }
0x1: {  	s5 =	rddreg [dreg:$0x0]  }
0x2: {  	s1 =	srdreg.scid;
	s0 =	stileid.u32  }
0x3: {  	s7 =	rddreg [dreg:$0x1];
	s2 =	simm.s32 $0x0;
	s11 =	simm.s32 $0x3  }
0x4: {  	s12 =	simm.s32 $0x18D80;
	s13 =	simm.s32 $0x1;
	s14 =	simm.s32 $0x2  }
0x5: {  	s15 =	simm.s32 $0x19400;
	s3 =	sand.u32 $0x1, s1;
	s4 =	sshll.u32 s0, $0x1  }
0x6: {  	s16 =	simm.s32 $0x0;
	s1 =	rddreg [dreg:$0x2];
	s4 =	sor.u32 s3, s4  }
0x7: {  	[smem:$0x7FF] =	sst s2;
	s6 =	ssub.s32 $0x2, s3;
	s8 =	smul.u32 $0xC4, s4  }
0x8: {  	_ =	strace $0x80000047;
	s3 =	sadd.s32 $0xC00, s5;
	s9 =	sshrl.u32 s6, $0x1  }
0x9: {  	s4 =	sadd.s32 $0x2600, s5;
	s9 =	ssub.s32 s6, s9;
	s10 =	sadd.s32 s8, s5  }
0xa: {  	s7 =	sadd.s32 s7, s8;
	s8 =	smax.u32 s9, $0x1;
	s9 =	simm.s32 $0xC380  }
0xb: {  	s5 =	sadd.s32 $0x4000, s10;
	s6 =	sadd.s32 $0x5A00, s10;
	s10 =	simm.s32 $0x18700  }
.LBB2_1:
0xc: {  	[tilespmem:s2], [sflag:$0x1] =	stream.linear.gather [hbm4b:s3+s2], $0xC380, $0x38;
	[tilespmem:$0x19A80] =	vst v63  }
0xd: {  	_ = 	snop  }
0xe: {  	[tilespmem:s9], [sflag:$0x2] =	stream.linear.gather [hbm4b:s4+s2], $0xC380, $0x38;
	[tilespmem:$0x19A80] =	vst v63  }
0xf: {  	_ = 	snop  }
0x10: {  	[tilespmem:s10], [sflag:$0x3] =	stream.linear.gather [hbm4b:s5+s2], $0x620, $0x38;
	[tilespmem:$0x19A80] =	vst v63  }
0x11: {  	_ =	swait.ge [sflag:s11], $0x620  }
0x12: {  	[sflag:s11] =	ssyncset.done $0x0  }
0x13: {  	[sflag:s11] =	ssyncadd.s32 $0xFFFFF9E0  }
0x14: {  	[tilespmem:s12], [sflag:$0x3] =	stream.linear.gather [hbm4b:s6+s2], $0x620, $0x38;
	[tilespmem:$0x19A80] =	vst v63  }
0x15: {  	_ =	swait.ge [sflag:s11], $0x620  }
0x16: {  	[sflag:s11] =	ssyncset.done $0x0  }
0x17: {  	[sflag:s11] =	ssyncadd.s32 $0xFFFFF9E0  }
0x18: {  	_ =	swait.ge [sflag:s13], $0xC380  }
0x19: {  	[sflag:s13] =	ssyncset.done $0x0  }
0x1a: {  	[sflag:s13] =	ssyncadd.s32 $0xFFFF3C80  }
0x1b: {  	_ =	swait.ge [sflag:s14], $0xC380  }
0x1c: {  	[sflag:s14] =	ssyncset.done $0x0  }
0x1d: {  	s17 =	simm.s32 $0x0;
	[sflag:s14] =	ssyncadd.s32 $0xFFFF3C80  }
0x1e: {  	v0 =	vld [tilespmem:s17+$0x18D80]  }
0x1f: {  	v1 =	vld [tilespmem:s17+$0x18700];
	_ =	sdelay $0x6  }
0x20: {  	v0 =	vld.idx.msk [tilespmem:v0+s9+$0x0], $0xffff  }
0x21: {  	s18 =	simm.s32 $0x10;
	v2 =	vld.idx.msk [tilespmem:v1+s2+$0x0], $0xffff  }
0x22: {  	s19 =	simm.s32 $0x80;
	v1 =	vld [tilespmem:s18+$0x18D80]  }
.LBB2_2:
0x23: {  	p0 =	sne.s32 s19, $0x1840;
	v3 =	vld [tilespmem:s18+$0x18700];
	_ =	sdelay $0x3  }
0x24: {  	v0 =	vadd.f32 v0, v2  }
.Ltmp0:
0x25: {  	(pc) =	sbr.rel @p0 .LBB2_2-.Ltmp0, $4  }
0x26: {  	[tilespmem:s17+$0x19400] =	vst v0;
	s17 =	smov.u32 s18  }
0x27: {  	v0 =	vld.idx.msk [tilespmem:v1+s9+$0x0], $0xffff  }
0x28: {  	s18 =	sshra.s32 s19, $0x2;
	v2 =	vld.idx.msk [tilespmem:v3+s2+$0x0], $0xffff  }
0x29: {  	s19 =	sadd.s32 $0x40, s19;
	v1 =	vld [tilespmem:s18+$0x18D80]  }
0x2a: {  	_ = 	snop  }
0x2b: {  	v3 =	vld [tilespmem:s18+$0x18700];
	_ =	sdelay $0x3  }
0x2c: {  	v0 =	vadd.f32 v0, v2;
	_ =	sdelay $0x1  }
0x2d: {  	[tilespmem:s17+$0x19400] =	vst v0  }
0x2e: {  	v0 =	vld.idx.msk [tilespmem:v1+s9+$0x0], $0xffff  }
0x2f: {  	v63 =	vld.idx.msk [tilespmem:v3+s2+$0x0], $0xffff;
	_ =	sdelay $0x4  }
0x30: {  	s16 =	sadd.s32 $0x1, s16;
	v0 =	vadd.f32 v0, v63  }
0x31: {  	p0 =	sne.s32 s16, s8  }
.Ltmp1:
0x32: {  	[tilespmem:s18+$0x19400] =	vst v0;
	(pc) =	sbr.rel @p0 .LBB2_1-.Ltmp1, $4  }
0x33: {  	[hbm4b:s7+s2] =	stream.linear.scatter [tilespmem:s15], [sflag:$0x3], $0x620, $0x38;
	[tilespmem:$0x19A80] =	vst v63  }
0x34: {  	_ =	swait.ge [sflag:s11], $0x620  }
0x35: {  	[sflag:s11] =	ssyncset.done $0x0  }
0x36: {  	[sflag:s11] =	ssyncadd.s32 $0xFFFFF9E0  }
0x37: {  	_ =	sfence.sel $0x180000  }
0x38: {  	[bflag:$0x0] =	sbarrier.arrive $0xFFFF  }
0x39: {  	p0 =	sne.s32 s0, $0x0;
	_ =	strace $0x90000047  }
0x3a: {  	s0 =	sadd.s32 @!p0 $0x100000, s1;
	[bflag:$0x2] =	sbarrier.arrive $0xFFFF  }
0x3b: {  	[sflag:s0] =	ssyncadd.tile.s32 @!p0 $0x1;
	_ =	shalt  }
.Lfunc_end2:
_tile_overlayer_lowered:
.L_overlay_start_2:
0x3c: {  	(tag) =	ssettag $0x2  }
0x3d: {  	s0 =	rddreg [dreg:$0x0];
	s2 =	stileid.u32  }
0x3e: {  	s1 =	rddreg [dreg:$0x1];
	p0 =	sne.s32 s2, $0x0  }
0x3f: {  	s3 =	rddreg [dreg:$0x2];
	[bflag:$0x3] =	sbarrier.arrive $0xFFFF;
	s2 =	simm.s32 @!p0 $0x1C03  }
0x40: {  	[timem:s3], [sflag:s2] =	dma.local @!p0 [hbm:s0], s1  }
0x41: {  	s0 =	simm.s32 @!p0 $0x3  }
0x42: {  	_ =	swait.ge @!p0 [sflag:s0], s1  }
0x43: {  	s1 =	ssub.s32 @!p0 $0x0, s1;
	[sflag:s0] =	ssyncset.done @!p0 $0x0  }
0x44: {  	[sflag:s0] =	ssyncadd.s32 @!p0 s1  }
0x45: {  	[bflag:$0x3] =	sbarrier.arrive $0xFFFF  }
0x46: {  	_ =	shalt  }

</sc_bundles>
